<compile_context>
chip_gen: v7x
topology: tpu7x:2x2x1
jax: 0.10.2.dev20260603
libtpu: 0.0.44.dev20260713+nightly
codegen_flags: <defaults>
</compile_context>

<pallas_src>
import jax
import jax.numpy as jnp
from jax import lax
from jax.experimental import pallas as pl
from jax.experimental.pallas import tpu as pltpu
from jax.experimental.pallas import tpu_sc as plsc

N = 10000
E = 160000
D = 256
H = 256
HALF = 128
NC = 2
NS = 16
EPW = E // NS
CH = 128
NCHUNK = 79
EPWP = NCHUNK * CH
TRASH = N
DROW = 80
NDEG0 = 10112
NACC = 10240
STRIPE = NACC // NS
NV16 = EPWP // 16
BLK = 1000


def _sc_body(x2, src_i, dst_i, idn, zr8, out,
             src_v, dst_v, buf, deg_v, idn_v, acc, gs0):
    c = lax.axis_index("c")
    s = lax.axis_index("s")
    pltpu.sync_copy(src_i.at[c, s], src_v)
    pltpu.sync_copy(dst_i.at[s], dst_v)

    def zstep(t, carry):
        pltpu.sync_copy(zr8, acc.at[pl.ds(s * STRIPE + t * 8, 8)])
        return carry

    lax.fori_loop(0, STRIPE // 8, zstep, 0)

    @pl.when(c == 0)
    def _deg():
        pltpu.sync_copy(idn, idn_v)

        def dzero(t, carry):
            deg_v[t >> 3, pl.ds((t & 7) * 16, 16)] = jnp.zeros(
                (16,), jnp.float32)
            return carry

        lax.fori_loop(0, DROW * 8, dzero, 0)

        def dstep(t, carry):
            idx = dst_v[t >> 3, pl.ds((t & 7) * 16, 16)]
            plsc.addupdate_scatter(
                deg_v,
                [lax.shift_right_logical(idx, 7), lax.bitwise_and(idx, 127)],
                jnp.ones((16,), jnp.float32))
            return carry

        lax.fori_loop(0, NV16, dstep, 0)

    plsc.subcore_barrier()

    @pl.when(c == 0)
    def _degred():
        pltpu.sync_copy(deg_v, acc.at[idn_v.at[0]], add=True)

    def step(j, carry):
        pltpu.async_copy(x2.at[src_v.at[j]], buf, gs0).wait()
        pltpu.sync_copy(buf, acc.at[dst_v.at[j]], add=True)
        return carry

    lax.fori_loop(0, NCHUNK, step, 0)

    plsc.subcore_barrier()
    pltpu.sync_copy(acc.at[pl.ds(s * STRIPE, STRIPE)],
                    out.at[c, pl.ds(s * STRIPE, STRIPE)])


_sc_agg = pl.kernel(
    _sc_body,
    mesh=plsc.VectorSubcoreMesh(core_axis_name="c", subcore_axis_name="s"),
    compiler_params=pltpu.CompilerParams(needs_layout_passes=False),
    out_type=jax.ShapeDtypeStruct((NC, NACC, HALF), jnp.float32),
    scratch_types=[
        pltpu.VMEM((NCHUNK, CH), jnp.int32),
        pltpu.VMEM((NCHUNK, CH), jnp.int32),
        pltpu.VMEM((CH, HALF), jnp.float32),
        pltpu.VMEM((DROW, HALF), jnp.float32),
        pltpu.VMEM((1, DROW), jnp.int32),
        pltpu.VMEM_SHARED((NACC, HALF), jnp.float32),
        pltpu.SemaphoreType.DMA,
    ],
)


def _tc_body(x_ref, al_ref, ar_ref, dg_ref, ws_ref, wn1_ref, wn2_ref,
             b_ref, we_ref, out_ref):
    u = (jnp.dot(al_ref[...], wn1_ref[...], preferred_element_type=jnp.float32)
         + jnp.dot(ar_ref[...], wn2_ref[...],
                   preferred_element_type=jnp.float32))
    h = (jnp.dot(x_ref[...], ws_ref[...], preferred_element_type=jnp.float32)
         + u / jnp.maximum(dg_ref[...], 1.0) + b_ref[...])
    h = jnp.maximum(h, 0.0)
    out_ref[...] = jnp.dot(h, we_ref[...], preferred_element_type=jnp.float32)


_tc_dense = pl.pallas_call(
    _tc_body,
    grid=(N // BLK,),
    in_specs=[
        pl.BlockSpec((BLK, D), lambda i: (i, 0)),
        pl.BlockSpec((BLK, HALF), lambda i: (i, 0)),
        pl.BlockSpec((BLK, HALF), lambda i: (i, 0)),
        pl.BlockSpec((BLK, 1), lambda i: (i, 0)),
        pl.BlockSpec((D, H), lambda i: (0, 0)),
        pl.BlockSpec((HALF, H), lambda i: (0, 0)),
        pl.BlockSpec((HALF, H), lambda i: (0, 0)),
        pl.BlockSpec((1, H), lambda i: (0, 0)),
        pl.BlockSpec((H, H), lambda i: (0, 0)),
    ],
    out_specs=pl.BlockSpec((BLK, H), lambda i: (i, 0)),
    out_shape=jax.ShapeDtypeStruct((N, H), jnp.float32),
)


def kernel(x, edge_index, W_self, W_neigh, b, W_e2d):
    src = edge_index[0].astype(jnp.int32)
    dst = edge_index[1].astype(jnp.int32)

    x2 = jnp.concatenate([x[:, :HALF], x[:, HALF:]], axis=0)

    srcw = jnp.pad(src.reshape(NS, EPW), ((0, 0), (0, EPWP - EPW)))
    src_i = jnp.stack([srcw, srcw + N]).reshape(NC, NS, NCHUNK, CH)
    padd = TRASH + (jnp.arange(EPWP - EPW, dtype=jnp.int32) % 112)
    dst_i = jnp.concatenate(
        [dst.reshape(NS, EPW),
         jnp.broadcast_to(padd, (NS, EPWP - EPW))],
        axis=1).reshape(NS, NCHUNK, CH)
    idn = (jnp.arange(DROW, dtype=jnp.int32) + NDEG0)[None, :]
    zr8 = jnp.zeros((8, HALF), jnp.float32)

    accs = _sc_agg(x2, src_i, dst_i, idn, zr8)

    deg = accs[0, NDEG0:NDEG0 + DROW].reshape(DROW * HALF)[:N, None]
    return _tc_dense(x, accs[0, :N], accs[1, :N], deg, W_self,
                     W_neigh[:HALF], W_neigh[HALF:], b[None, :], W_e2d)

# --- scband reference (transcript-rebuilt; emitter-appended) ---
"""Pipeline reference for scband-hgarme-1769526526396 (READ-ONLY COPY).

The authoritative reference and input builder live on the scoring server;
editing this copy changes nothing except your own understanding.
"""

import jax, jax.numpy as jnp
import numpy as np

N_NODES = 10000
N_EDGES = 160000
D = 256
H = 256


def setup_inputs(seed: int = 0) -> dict:
    key = jax.random.key(seed)
    k1, k2, k3, k4, k5, k6 = jax.random.split(key, 6)
    x = jax.random.normal(k1, (N_NODES, D), dtype=jnp.float32)
    edge_index = jax.random.randint(k2, (2, N_EDGES), 0, N_NODES, dtype=jnp.int64)
    # weight_T[target_type]: Linear(in_dim -> hidden) split into self/neigh paths of the
    # HGraphSAGE encoder layer; encoder_to_decoder: Linear(hidden -> hidden, bias=False)
    W_self = jax.random.normal(k3, (D, H), dtype=jnp.float32) * 0.05
    W_neigh = jax.random.normal(k4, (D, H), dtype=jnp.float32) * 0.05
    b = jnp.zeros((H,), dtype=jnp.float32)
    W_e2d = jax.random.normal(k5, (H, H), dtype=jnp.float32) * 0.05
    return {"x": x, "edge_index": edge_index, "W_self": W_self, "W_neigh": W_neigh, "b": b, "W_e2d": W_e2d}


def reference(x, edge_index, W_self, W_neigh, b, W_e2d):
    # One HGraphSAGE message-passing layer (mean aggregator) as used inside
    # HGARME's encoder, followed by the encoder_to_decoder projection.
    src = edge_index[0]
    dst = edge_index[1]
    n = x.shape[0]
    msgs = jnp.take(x, src, axis=0)                      # gather  [E, D]
    agg = jax.ops.segment_sum(msgs, dst, num_segments=n) # scatter-add [N, D]
    deg = jax.ops.segment_sum(jnp.ones((src.shape[0],), dtype=x.dtype), dst, num_segments=n)
    mean_agg = agg / jnp.clip(deg, 1.0, None)[:, None]
    h = x @ W_self + mean_agg @ W_neigh + b
    h = jax.nn.relu(h)
    enc_rep = h @ W_e2d                                  # encoder_to_decoder (no bias)
    return enc_rep

if __name__ == "__main__":
    import jax
    _d = setup_inputs()
    print(jax.jit(kernel)(*tuple(_d.values())))

</pallas_src>

<mosaic_0001>
#map = affine_map<(d0, d1) -> (0, 0)>
#map1 = affine_map<(d0, d1) -> (0, 0, 0, 0)>
#map2 = affine_map<(d0, d1) -> (0, 0, 0)>
module attributes {stable_mosaic.version = 14 : i64} {
  func.func @_sc_body(%arg0: i32, %arg1: i32, %arg2: memref<20000x128xf32, #tpu.memory_space<hbm>>, %arg3: memref<2x16x79x128xi32, #tpu.memory_space<hbm>>, %arg4: memref<16x79x128xi32, #tpu.memory_space<hbm>>, %arg5: memref<1x80xi32, #tpu.memory_space<hbm>>, %arg6: memref<8x128xf32, #tpu.memory_space<hbm>>, %arg7: memref<2x10240x128xf32, #tpu.memory_space<hbm>>, %arg8: memref<79x128xi32, #tpu.memory_space<vmem>>, %arg9: memref<79x128xi32, #tpu.memory_space<vmem>>, %arg10: memref<128x128xf32, #tpu.memory_space<vmem>>, %arg11: memref<80x128xf32, #tpu.memory_space<vmem>>, %arg12: memref<1x80xi32, #tpu.memory_space<vmem>>, %arg13: memref<10240x128xf32, #tpu.memory_space<vmem_shared>>, %arg14: memref<!tpu.dma_semaphore, #tpu.memory_space<semaphore_mem>>) attributes {dimension_semantics = [#tpu.dimension_semantics<core_parallel>, #tpu.dimension_semantics<subcore_parallel>], iteration_bounds = array<i64: 2, 16>, scalar_prefetch = 0 : i64, scratch_operands = 7 : i64, tpu.core_type = #tpu.core_type<sc_vector_subcore>, window_params = [{transform_indices = #map}, {transform_indices = #map1}, {transform_indices = #map2}, {transform_indices = #map}, {transform_indices = #map}, {transform_indices = #map2}]} {
    "tpu.region"() ({
      %run_scoped3A = tpu.sem_alloc : memref<!tpu.dma_semaphore, #tpu.memory_space<semaphore_mem>>
      %dma_start3A = arith.constant 0 : i32
      %dma_start3A_22 = arith.constant 0 : i32
      %dma_start3A_23 = tpu.memref_slice %arg3[%arg0, %arg1, %dma_start3A, %dma_start3A_22] : memref<2x16x79x128xi32, #tpu.memory_space<hbm>> -> memref<1x1x79x128xi32, #tpu.memory_space<hbm>>
      %dma_start3A_24 = tpu.memref_squeeze %dma_start3A_23 : memref<1x1x79x128xi32, #tpu.memory_space<hbm>> -> memref<79x128xi32, #tpu.memory_space<hbm>>
      %dma_start3A_25 = arith.constant 0 : i32
      %dma_start3A_26 = arith.constant 0 : i32
      %dma_start3A_27 = tpu.memref_slice %arg3[%arg0, %arg1, %dma_start3A_25, %dma_start3A_26] : memref<2x16x79x128xi32, #tpu.memory_space<hbm>> -> memref<1x1x79x128xi32, #tpu.memory_space<hbm>>
      %dma_start3A_28 = tpu.memref_squeeze %dma_start3A_27 : memref<1x1x79x128xi32, #tpu.memory_space<hbm>> -> memref<79x128xi32, #tpu.memory_space<hbm>>
      tpu.enqueue_dma source(%dma_start3A_28 : memref<79x128xi32, #tpu.memory_space<hbm>>) target(%arg8 : memref<79x128xi32, #tpu.memory_space<vmem>>) target_semaphore(%run_scoped3A : memref<!tpu.dma_semaphore, #tpu.memory_space<semaphore_mem>>)
      %dma_wait3A = arith.constant 0 : i32
      %dma_wait3A_29 = arith.constant 0 : i32
      %dma_wait3A_30 = tpu.memref_slice %arg3[%arg0, %arg1, %dma_wait3A, %dma_wait3A_29] : memref<2x16x79x128xi32, #tpu.memory_space<hbm>> -> memref<1x1x79x128xi32, #tpu.memory_space<hbm>>
      %dma_wait3A_31 = tpu.memref_squeeze %dma_wait3A_30 : memref<1x1x79x128xi32, #tpu.memory_space<hbm>> -> memref<79x128xi32, #tpu.memory_space<hbm>>
      %dma_wait3A_32 = arith.constant 0 : i32
      %dma_wait3A_33 = arith.constant 0 : i32
      %dma_wait3A_34 = tpu.memref_slice %arg3[%arg0, %arg1, %dma_wait3A_32, %dma_wait3A_33] : memref<2x16x79x128xi32, #tpu.memory_space<hbm>> -> memref<1x1x79x128xi32, #tpu.memory_space<hbm>>
      %dma_wait3A_35 = tpu.memref_squeeze %dma_wait3A_34 : memref<1x1x79x128xi32, #tpu.memory_space<hbm>> -> memref<79x128xi32, #tpu.memory_space<hbm>>
      tpu.wait_dma2 semaphore(%run_scoped3A : memref<!tpu.dma_semaphore, #tpu.memory_space<semaphore_mem>>) src(%dma_wait3A_35 : memref<79x128xi32, #tpu.memory_space<hbm>>) dst(%arg8 : memref<79x128xi32, #tpu.memory_space<vmem>>)
      tpu.yield
    }) : () -> ()
    "tpu.region"() ({
      %run_scoped3A = tpu.sem_alloc : memref<!tpu.dma_semaphore, #tpu.memory_space<semaphore_mem>>
      %dma_start3A = arith.constant 0 : i32
      %dma_start3A_22 = arith.constant 0 : i32
      %dma_start3A_23 = tpu.memref_slice %arg4[%arg1, %dma_start3A, %dma_start3A_22] : memref<16x79x128xi32, #tpu.memory_space<hbm>> -> memref<1x79x128xi32, #tpu.memory_space<hbm>>
      %dma_start3A_24 = tpu.memref_squeeze %dma_start3A_23 : memref<1x79x128xi32, #tpu.memory_space<hbm>> -> memref<79x128xi32, #tpu.memory_space<hbm>>
      %dma_start3A_25 = arith.constant 0 : i32
      %dma_start3A_26 = arith.constant 0 : i32
      %dma_start3A_27 = tpu.memref_slice %arg4[%arg1, %dma_start3A_25, %dma_start3A_26] : memref<16x79x128xi32, #tpu.memory_space<hbm>> -> memref<1x79x128xi32, #tpu.memory_space<hbm>>
      %dma_start3A_28 = tpu.memref_squeeze %dma_start3A_27 : memref<1x79x128xi32, #tpu.memory_space<hbm>> -> memref<79x128xi32, #tpu.memory_space<hbm>>
      tpu.enqueue_dma source(%dma_start3A_28 : memref<79x128xi32, #tpu.memory_space<hbm>>) target(%arg9 : memref<79x128xi32, #tpu.memory_space<vmem>>) target_semaphore(%run_scoped3A : memref<!tpu.dma_semaphore, #tpu.memory_space<semaphore_mem>>)
      %dma_wait3A = arith.constant 0 : i32
      %dma_wait3A_29 = arith.constant 0 : i32
      %dma_wait3A_30 = tpu.memref_slice %arg4[%arg1, %dma_wait3A, %dma_wait3A_29] : memref<16x79x128xi32, #tpu.memory_space<hbm>> -> memref<1x79x128xi32, #tpu.memory_space<hbm>>
      %dma_wait3A_31 = tpu.memref_squeeze %dma_wait3A_30 : memref<1x79x128xi32, #tpu.memory_space<hbm>> -> memref<79x128xi32, #tpu.memory_space<hbm>>
      %dma_wait3A_32 = arith.constant 0 : i32
      %dma_wait3A_33 = arith.constant 0 : i32
      %dma_wait3A_34 = tpu.memref_slice %arg4[%arg1, %dma_wait3A_32, %dma_wait3A_33] : memref<16x79x128xi32, #tpu.memory_space<hbm>> -> memref<1x79x128xi32, #tpu.memory_space<hbm>>
      %dma_wait3A_35 = tpu.memref_squeeze %dma_wait3A_34 : memref<1x79x128xi32, #tpu.memory_space<hbm>> -> memref<79x128xi32, #tpu.memory_space<hbm>>
      tpu.wait_dma2 semaphore(%run_scoped3A : memref<!tpu.dma_semaphore, #tpu.memory_space<semaphore_mem>>) src(%dma_wait3A_35 : memref<79x128xi32, #tpu.memory_space<hbm>>) dst(%arg9 : memref<79x128xi32, #tpu.memory_space<vmem>>)
      tpu.yield
    }) : () -> ()
    %scan3A = arith.constant 0 : i32
    %scan3A_0 = arith.constant 0 : i32
    %scan3A_1 = arith.constant 80 : i32
    %scan3A_2 = arith.addi %scan3A_0, %scan3A_1 : i32
    %scan3A_3 = arith.constant 1 : i32
    scf.for %scan3A_22 = %scan3A_0 to %scan3A_2 step %scan3A_3  : i32 {
      %mul3A_23 = arith.constant 640 : i32
      %mul3A_24 = arith.muli %arg1, %mul3A_23 : i32
      %mul3A_25 = arith.constant 8 : i32
      %mul3A_26 = arith.muli %scan3A_22, %mul3A_25 : i32
      %add3A = arith.addi %mul3A_24, %mul3A_26 : i32
      "tpu.region"() ({
        %run_scoped3A = tpu.sem_alloc : memref<!tpu.dma_semaphore, #tpu.memory_space<semaphore_mem>>
        %dma_start3A = arith.constant 0 : i32
        %dma_start3A_27 = tpu.memref_slice %arg13[%add3A, %dma_start3A] : memref<10240x128xf32, #tpu.memory_space<vmem_shared>> -> memref<8x128xf32, #tpu.memory_space<vmem_shared>>
        tpu.enqueue_dma source(%arg6 : memref<8x128xf32, #tpu.memory_space<hbm>>) target(%dma_start3A_27 : memref<8x128xf32, #tpu.memory_space<vmem_shared>>) target_semaphore(%run_scoped3A : memref<!tpu.dma_semaphore, #tpu.memory_space<semaphore_mem>>)
        %dma_wait3A = arith.constant 0 : i32
        %dma_wait3A_28 = tpu.memref_slice %arg13[%add3A, %dma_wait3A] : memref<10240x128xf32, #tpu.memory_space<vmem_shared>> -> memref<8x128xf32, #tpu.memory_space<vmem_shared>>
        tpu.wait_dma2 semaphore(%run_scoped3A : memref<!tpu.dma_semaphore, #tpu.memory_space<semaphore_mem>>) src(%arg6 : memref<8x128xf32, #tpu.memory_space<hbm>>) dst(%dma_wait3A_28 : memref<8x128xf32, #tpu.memory_space<vmem_shared>>)
        tpu.yield
      }) : () -> ()
    }
    %scan3A_4 = arith.constant 80 : i32
    %eq3A = arith.constant 0 : i32
    %eq3A_5 = arith.cmpi eq, %arg0, %eq3A : i32
    %convert_element_type3A = arith.extui %eq3A_5 : i1 to i32
    %cond3A = arith.constant 0 : i32
    %cond3A_6 = arith.cmpi ne, %convert_element_type3A, %cond3A : i32
    scf.if %cond3A_6 {
      "tpu.region"() ({
        %run_scoped3A = tpu.sem_alloc : memref<!tpu.dma_semaphore, #tpu.memory_space<semaphore_mem>>
        tpu.enqueue_dma source(%arg5 : memref<1x80xi32, #tpu.memory_space<hbm>>) target(%arg12 : memref<1x80xi32, #tpu.memory_space<vmem>>) target_semaphore(%run_scoped3A : memref<!tpu.dma_semaphore, #tpu.memory_space<semaphore_mem>>)
        tpu.wait_dma2 semaphore(%run_scoped3A : memref<!tpu.dma_semaphore, #tpu.memory_space<semaphore_mem>>) src(%arg5 : memref<1x80xi32, #tpu.memory_space<hbm>>) dst(%arg12 : memref<1x80xi32, #tpu.memory_space<vmem>>)
        tpu.yield
      }) : () -> ()
      %scan3A_22 = arith.constant 0 : i32
      %scan3A_23 = arith.constant 0 : i32
      %scan3A_24 = arith.constant 640 : i32
      %scan3A_25 = arith.addi %scan3A_23, %scan3A_24 : i32
      %scan3A_26 = arith.constant 1 : i32
      scf.for %scan3A_34 = %scan3A_23 to %scan3A_25 step %scan3A_26  : i32 {
        %broadcast_in_dim3A = arith.constant 0.000000e+00 : f32
        %broadcast_in_dim3A_35 = vector.broadcast %broadcast_in_dim3A : f32 to vector<16xf32>
        %shift_right_arithmetic3A = arith.constant 3 : i32
        %shift_right_arithmetic3A_36 = arith.shrsi %scan3A_34, %shift_right_arithmetic3A : i32
        %and3A = arith.constant 7 : i32
        %and3A_37 = arith.andi %scan3A_34, %and3A : i32
        %mul3A_38 = arith.constant 16 : i32
        %mul3A_39 = arith.muli %and3A_37, %mul3A_38 : i32
        %swap3A = arith.index_cast %shift_right_arithmetic3A_36 : i32 to index
        %swap3A_40 = arith.index_cast %mul3A_39 : i32 to index
        %swap3A_41 = tpu.vector_load %arg11[%swap3A, %swap3A_40] {strides = array<i32>} : memref<80x128xf32, #tpu.memory_space<vmem>>, vector<16xf32>,
        tpu.vector_store %arg11[%swap3A, %swap3A_40], %broadcast_in_dim3A_35 {strides = array<i32>} : memref<80x128xf32, #tpu.memory_space<vmem>>, vector<16xf32>,
      }
      %scan3A_27 = arith.constant 640 : i32
      %scan3A_28 = arith.constant 0 : i32
      %scan3A_29 = arith.constant 0 : i32
      %scan3A_30 = arith.constant 632 : i32
      %scan3A_31 = arith.addi %scan3A_29, %scan3A_30 : i32
      %scan3A_32 = arith.constant 1 : i32
      scf.for %scan3A_34 = %scan3A_29 to %scan3A_31 step %scan3A_32  : i32 {
        %shift_right_arithmetic3A = arith.constant 3 : i32
        %shift_right_arithmetic3A_35 = arith.shrsi %scan3A_34, %shift_right_arithmetic3A : i32
        %and3A = arith.constant 7 : i32
        %and3A_36 = arith.andi %scan3A_34, %and3A : i32
        %mul3A_37 = arith.constant 16 : i32
        %mul3A_38 = arith.muli %and3A_36, %mul3A_37 : i32
        %get3A = arith.index_cast %shift_right_arithmetic3A_35 : i32 to index
        %get3A_39 = arith.index_cast %mul3A_38 : i32 to index
        %get3A_40 = tpu.vector_load %arg9[%get3A, %get3A_39] {strides = array<i32>} : memref<79x128xi32, #tpu.memory_space<vmem>>, vector<16xi32>,
        %shift_right_logical3A = arith.constant 7 : i32
        %shift_right_logical3A_41 = vector.broadcast %shift_right_logical3A : i32 to vector<16xi32>
        %shift_right_logical3A_42 = arith.shrui %get3A_40, %shift_right_logical3A_41 : vector<16xi32>
        %and3A_43 = arith.constant 127 : i32
        %and3A_44 = vector.broadcast %and3A_43 : i32 to vector<16xi32>
        %and3A_45 = arith.andi %get3A_40, %and3A_44 : vector<16xi32>
        %broadcast_in_dim3A = arith.constant 1.000000e+00 : f32
        %broadcast_in_dim3A_46 = vector.broadcast %broadcast_in_dim3A : f32 to vector<16xf32>
        tpu.vector_store_idx %arg11[%shift_right_logical3A_42, %and3A_45], %broadcast_in_dim3A_46 {add = true} : memref<80x128xf32, #tpu.memory_space<vmem>>[vector<16xi32>, vector<16xi32>], vector<16xf32>,
      }
      %scan3A_33 = arith.constant 632 : i32
    } else {
    }
    %barrier3A = arith.constant 0 : index
    tpu.barrier barrier_id(%barrier3A)
    %eq3A_7 = arith.constant 0 : i32
    %eq3A_8 = arith.cmpi eq, %arg0, %eq3A_7 : i32
    %convert_element_type3A_9 = arith.extui %eq3A_8 : i1 to i32
    %cond3A_10 = arith.constant 0 : i32
    %cond3A_11 = arith.cmpi ne, %convert_element_type3A_9, %cond3A_10 : i32
    scf.if %cond3A_11 {
      %run_scoped3A = arith.constant 0 : i32
      "tpu.region"() ({
        %run_scoped3A_22 = tpu.sem_alloc : memref<!tpu.dma_semaphore, #tpu.memory_space<semaphore_mem>>
        %dma_start3A = arith.constant 0 : i32
        %dma_start3A_23 = tpu.memref_slice %arg12[%run_scoped3A, %dma_start3A] : memref<1x80xi32, #tpu.memory_space<vmem>> -> memref<1x80xi32, #tpu.memory_space<vmem>>
        %dma_start3A_24 = tpu.memref_squeeze %dma_start3A_23 : memref<1x80xi32, #tpu.memory_space<vmem>> -> memref<80xi32, #tpu.memory_space<vmem>>
        %dma_start3A_25 = arith.constant 0 : i32
        %dma_start3A_26 = arith.constant 0 : i32
        %dma_start3A_27 = tpu.memref_slice %arg13[%dma_start3A_25, %dma_start3A_26] : memref<10240x128xf32, #tpu.memory_space<vmem_shared>> -> memref<10240x128xf32, #tpu.memory_space<vmem_shared>>
        tpu.enqueue_indirect_dma source(%arg11 : memref<80x128xf32, #tpu.memory_space<vmem>>) target(%dma_start3A_27 : memref<10240x128xf32, #tpu.memory_space<vmem_shared>>) offsets(%dma_start3A_24 : memref<80xi32, #tpu.memory_space<vmem>>) semaphore(%run_scoped3A_22 : memref<!tpu.dma_semaphore, #tpu.memory_space<semaphore_mem>>) {add = true}
        %dma_wait3A = arith.constant 0 : i32
        %dma_wait3A_28 = tpu.memref_slice %arg12[%run_scoped3A, %dma_wait3A] : memref<1x80xi32, #tpu.memory_space<vmem>> -> memref<1x80xi32, #tpu.memory_space<vmem>>
        %dma_wait3A_29 = tpu.memref_squeeze %dma_wait3A_28 : memref<1x80xi32, #tpu.memory_space<vmem>> -> memref<80xi32, #tpu.memory_space<vmem>>
        %dma_wait3A_30 = arith.constant 0 : i32
        %dma_wait3A_31 = arith.constant 0 : i32
        %dma_wait3A_32 = tpu.memref_slice %arg13[%dma_wait3A_30, %dma_wait3A_31] : memref<10240x128xf32, #tpu.memory_space<vmem_shared>> -> memref<10240x128xf32, #tpu.memory_space<vmem_shared>>
        tpu.wait_indirect_dma semaphore(%run_scoped3A_22 : memref<!tpu.dma_semaphore, #tpu.memory_space<semaphore_mem>>) src(%arg11 : memref<80x128xf32, #tpu.memory_space<vmem>>) dst(%dma_wait3A_32 : memref<10240x128xf32, #tpu.memory_space<vmem_shared>>)
        tpu.yield
      }) : () -> ()
    } else {
    }
    %scan3A_12 = arith.constant 0 : i32
    %scan3A_13 = arith.constant 0 : i32
    %scan3A_14 = arith.constant 79 : i32
    %scan3A_15 = arith.addi %scan3A_13, %scan3A_14 : i32
    %scan3A_16 = arith.constant 1 : i32
    scf.for %scan3A_22 = %scan3A_13 to %scan3A_15 step %scan3A_16  : i32 {
      %dma_start3A = arith.constant 0 : i32
      %dma_start3A_23 = tpu.memref_slice %arg8[%scan3A_22, %dma_start3A] : memref<79x128xi32, #tpu.memory_space<vmem>> -> memref<1x128xi32, #tpu.memory_space<vmem>>
      %dma_start3A_24 = tpu.memref_squeeze %dma_start3A_23 : memref<1x128xi32, #tpu.memory_space<vmem>> -> memref<128xi32, #tpu.memory_space<vmem>>
      %dma_start3A_25 = arith.constant 0 : i32
      %dma_start3A_26 = arith.constant 0 : i32
      %dma_start3A_27 = tpu.memref_slice %arg2[%dma_start3A_25, %dma_start3A_26] : memref<20000x128xf32, #tpu.memory_space<hbm>> -> memref<20000x128xf32, #tpu.memory_space<hbm>>
      tpu.enqueue_indirect_dma source(%dma_start3A_27 : memref<20000x128xf32, #tpu.memory_space<hbm>>) target(%arg10 : memref<128x128xf32, #tpu.memory_space<vmem>>) offsets(%dma_start3A_24 : memref<128xi32, #tpu.memory_space<vmem>>) semaphore(%arg14 : memref<!tpu.dma_semaphore, #tpu.memory_space<semaphore_mem>>)
      %dma_wait3A = arith.constant 0 : i32
      %dma_wait3A_28 = tpu.memref_slice %arg8[%scan3A_22, %dma_wait3A] : memref<79x128xi32, #tpu.memory_space<vmem>> -> memref<1x128xi32, #tpu.memory_space<vmem>>
      %dma_wait3A_29 = tpu.memref_squeeze %dma_wait3A_28 : memref<1x128xi32, #tpu.memory_space<vmem>> -> memref<128xi32, #tpu.memory_space<vmem>>
      %dma_wait3A_30 = arith.constant 0 : i32
      %dma_wait3A_31 = arith.constant 0 : i32
      %dma_wait3A_32 = tpu.memref_slice %arg2[%dma_wait3A_30, %dma_wait3A_31] : memref<20000x128xf32, #tpu.memory_space<hbm>> -> memref<20000x128xf32, #tpu.memory_space<hbm>>
      tpu.wait_indirect_dma semaphore(%arg14 : memref<!tpu.dma_semaphore, #tpu.memory_space<semaphore_mem>>) src(%dma_wait3A_32 : memref<20000x128xf32, #tpu.memory_space<hbm>>) dst(%arg10 : memref<128x128xf32, #tpu.memory_space<vmem>>)
      "tpu.region"() ({
        %run_scoped3A = tpu.sem_alloc : memref<!tpu.dma_semaphore, #tpu.memory_space<semaphore_mem>>
        %dma_start3A_33 = arith.constant 0 : i32
        %dma_start3A_34 = tpu.memref_slice %arg9[%scan3A_22, %dma_start3A_33] : memref<79x128xi32, #tpu.memory_space<vmem>> -> memref<1x128xi32, #tpu.memory_space<vmem>>
        %dma_start3A_35 = tpu.memref_squeeze %dma_start3A_34 : memref<1x128xi32, #tpu.memory_space<vmem>> -> memref<128xi32, #tpu.memory_space<vmem>>
        %dma_start3A_36 = arith.constant 0 : i32
        %dma_start3A_37 = arith.constant 0 : i32
        %dma_start3A_38 = tpu.memref_slice %arg13[%dma_start3A_36, %dma_start3A_37] : memref<10240x128xf32, #tpu.memory_space<vmem_shared>> -> memref<10240x128xf32, #tpu.memory_space<vmem_shared>>
        tpu.enqueue_indirect_dma source(%arg10 : memref<128x128xf32, #tpu.memory_space<vmem>>) target(%dma_start3A_38 : memref<10240x128xf32, #tpu.memory_space<vmem_shared>>) offsets(%dma_start3A_35 : memref<128xi32, #tpu.memory_space<vmem>>) semaphore(%run_scoped3A : memref<!tpu.dma_semaphore, #tpu.memory_space<semaphore_mem>>) {add = true}
        %dma_wait3A_39 = arith.constant 0 : i32
        %dma_wait3A_40 = tpu.memref_slice %arg9[%scan3A_22, %dma_wait3A_39] : memref<79x128xi32, #tpu.memory_space<vmem>> -> memref<1x128xi32, #tpu.memory_space<vmem>>
        %dma_wait3A_41 = tpu.memref_squeeze %dma_wait3A_40 : memref<1x128xi32, #tpu.memory_space<vmem>> -> memref<128xi32, #tpu.memory_space<vmem>>
        %dma_wait3A_42 = arith.constant 0 : i32
        %dma_wait3A_43 = arith.constant 0 : i32
        %dma_wait3A_44 = tpu.memref_slice %arg13[%dma_wait3A_42, %dma_wait3A_43] : memref<10240x128xf32, #tpu.memory_space<vmem_shared>> -> memref<10240x128xf32, #tpu.memory_space<vmem_shared>>
        tpu.wait_indirect_dma semaphore(%run_scoped3A : memref<!tpu.dma_semaphore, #tpu.memory_space<semaphore_mem>>) src(%arg10 : memref<128x128xf32, #tpu.memory_space<vmem>>) dst(%dma_wait3A_44 : memref<10240x128xf32, #tpu.memory_space<vmem_shared>>)
        tpu.yield
      }) : () -> ()
    }
    %scan3A_17 = arith.constant 79 : i32
    %barrier3A_18 = arith.constant 0 : index
    tpu.barrier barrier_id(%barrier3A_18)
    %mul3A = arith.constant 640 : i32
    %mul3A_19 = arith.muli %arg1, %mul3A : i32
    %mul3A_20 = arith.constant 640 : i32
    %mul3A_21 = arith.muli %arg1, %mul3A_20 : i32
    "tpu.region"() ({
      %run_scoped3A = tpu.sem_alloc : memref<!tpu.dma_semaphore, #tpu.memory_space<semaphore_mem>>
      %dma_start3A = arith.constant 0 : i32
      %dma_start3A_22 = tpu.memref_slice %arg7[%arg0, %mul3A_21, %dma_start3A] : memref<2x10240x128xf32, #tpu.memory_space<hbm>> -> memref<1x640x128xf32, #tpu.memory_space<hbm>>
      %dma_start3A_23 = tpu.memref_squeeze %dma_start3A_22 : memref<1x640x128xf32, #tpu.memory_space<hbm>> -> memref<640x128xf32, #tpu.memory_space<hbm>>
      %dma_start3A_24 = arith.constant 0 : i32
      %dma_start3A_25 = tpu.memref_slice %arg13[%mul3A_19, %dma_start3A_24] : memref<10240x128xf32, #tpu.memory_space<vmem_shared>> -> memref<640x128xf32, #tpu.memory_space<vmem_shared>>
      tpu.enqueue_dma source(%dma_start3A_25 : memref<640x128xf32, #tpu.memory_space<vmem_shared>>) target(%dma_start3A_23 : memref<640x128xf32, #tpu.memory_space<hbm>>) target_semaphore(%run_scoped3A : memref<!tpu.dma_semaphore, #tpu.memory_space<semaphore_mem>>)
      %dma_wait3A = arith.constant 0 : i32
      %dma_wait3A_26 = tpu.memref_slice %arg7[%arg0, %mul3A_21, %dma_wait3A] : memref<2x10240x128xf32, #tpu.memory_space<hbm>> -> memref<1x640x128xf32, #tpu.memory_space<hbm>>
      %dma_wait3A_27 = tpu.memref_squeeze %dma_wait3A_26 : memref<1x640x128xf32, #tpu.memory_space<hbm>> -> memref<640x128xf32, #tpu.memory_space<hbm>>
      %dma_wait3A_28 = arith.constant 0 : i32
      %dma_wait3A_29 = tpu.memref_slice %arg13[%mul3A_19, %dma_wait3A_28] : memref<10240x128xf32, #tpu.memory_space<vmem_shared>> -> memref<640x128xf32, #tpu.memory_space<vmem_shared>>
      tpu.wait_dma2 semaphore(%run_scoped3A : memref<!tpu.dma_semaphore, #tpu.memory_space<semaphore_mem>>) src(%dma_wait3A_29 : memref<640x128xf32, #tpu.memory_space<vmem_shared>>) dst(%dma_wait3A_27 : memref<640x128xf32, #tpu.memory_space<hbm>>)
      tpu.yield
    }) : () -> ()
    return
  }
}

module attributes {stable_mosaic.version = 14 : i64} {
  func.func @_tc_body(%arg0: i32, %arg1: memref<1000x256xf32, #tpu.memory_space<vmem>>, %arg2: memref<1000x128xf32, #tpu.memory_space<vmem>>, %arg3: memref<1000x128xf32, #tpu.memory_space<vmem>>, %arg4: memref<1000x1xf32, #tpu.memory_space<vmem>>, %arg5: memref<256x256xf32, #tpu.memory_space<vmem>>, %arg6: memref<128x256xf32, #tpu.memory_space<vmem>>, %arg7: memref<128x256xf32, #tpu.memory_space<vmem>>, %arg8: memref<1x256xf32, #tpu.memory_space<vmem>>, %arg9: memref<256x256xf32, #tpu.memory_space<vmem>>, %arg10: memref<1000x256xf32, #tpu.memory_space<vmem>>) attributes {dimension_semantics = [#tpu.dimension_semantics<arbitrary>], iteration_bounds = array<i64: 10>, scalar_prefetch = 0 : i64, scratch_operands = 0 : i64, tpu.core_type = #tpu.core_type<tc>, window_params = [{transform_indices = @transform_0, window_bounds = array<i64: 1000, 256>}, {transform_indices = @transform_1, window_bounds = array<i64: 1000, 128>}, {transform_indices = @transform_2, window_bounds = array<i64: 1000, 128>}, {transform_indices = @transform_3, window_bounds = array<i64: 1000, 1>}, {pipeline_mode = #tpu.pipeline_mode<synchronous>, transform_indices = @transform_4, window_bounds = array<i64: 256, 256>}, {pipeline_mode = #tpu.pipeline_mode<synchronous>, transform_indices = @transform_5, window_bounds = array<i64: 128, 256>}, {pipeline_mode = #tpu.pipeline_mode<synchronous>, transform_indices = @transform_6, window_bounds = array<i64: 128, 256>}, {pipeline_mode = #tpu.pipeline_mode<synchronous>, transform_indices = @transform_7, window_bounds = array<i64: 1, 256>}, {pipeline_mode = #tpu.pipeline_mode<synchronous>, transform_indices = @transform_8, window_bounds = array<i64: 256, 256>}, {transform_indices = @transform_9, window_bounds = array<i64: 1000, 256>}]} {
    %get3A = arith.constant 0 : index
    %get3A_0 = arith.constant 0 : index
    %get3A_1 = vector.load %arg2[%get3A, %get3A_0] : memref<1000x128xf32, #tpu.memory_space<vmem>>, vector<1000x128xf32>
    %get3A_2 = arith.constant 0 : index
    %get3A_3 = arith.constant 0 : index
    %get3A_4 = vector.load %arg6[%get3A_2, %get3A_3] : memref<128x256xf32, #tpu.memory_space<vmem>>, vector<128x256xf32>
    %dot_general3A = arith.constant dense<0.000000e+00> : vector<1000x256xf32>
    %dot_general3A_5 = tpu.matmul %get3A_1, %get3A_4, %dot_general3A {dimension_numbers = #tpu.dot_dimension_numbers<[1], [0], [0], [1], [0, 0, 1, 1], [], []>, transpose_lhs_hint = false} : vector<1000x128xf32>, vector<128x256xf32>, vector<1000x256xf32> -> vector<1000x256xf32>
    %get3A_6 = arith.constant 0 : index
    %get3A_7 = arith.constant 0 : index
    %get3A_8 = vector.load %arg3[%get3A_6, %get3A_7] : memref<1000x128xf32, #tpu.memory_space<vmem>>, vector<1000x128xf32>
    %get3A_9 = arith.constant 0 : index
    %get3A_10 = arith.constant 0 : index
    %get3A_11 = vector.load %arg7[%get3A_9, %get3A_10] : memref<128x256xf32, #tpu.memory_space<vmem>>, vector<128x256xf32>
    %dot_general3A_12 = arith.constant dense<0.000000e+00> : vector<1000x256xf32>
    %dot_general3A_13 = tpu.matmul %get3A_8, %get3A_11, %dot_general3A_12 {dimension_numbers = #tpu.dot_dimension_numbers<[1], [0], [0], [1], [0, 0, 1, 1], [], []>, transpose_lhs_hint = false} : vector<1000x128xf32>, vector<128x256xf32>, vector<1000x256xf32> -> vector<1000x256xf32>
    %add3A = arith.addf %dot_general3A_5, %dot_general3A_13 : vector<1000x256xf32>
    %get3A_14 = arith.constant 0 : index
    %get3A_15 = arith.constant 0 : index
    %get3A_16 = vector.load %arg1[%get3A_14, %get3A_15] : memref<1000x256xf32, #tpu.memory_space<vmem>>, vector<1000x256xf32>
    %get3A_17 = arith.constant 0 : index
    %get3A_18 = arith.constant 0 : index
    %get3A_19 = vector.load %arg5[%get3A_17, %get3A_18] : memref<256x256xf32, #tpu.memory_space<vmem>>, vector<256x256xf32>
    %dot_general3A_20 = arith.constant dense<0.000000e+00> : vector<1000x256xf32>
    %dot_general3A_21 = tpu.matmul %get3A_16, %get3A_19, %dot_general3A_20 {dimension_numbers = #tpu.dot_dimension_numbers<[1], [0], [0], [1], [0, 0, 1, 1], [], []>, transpose_lhs_hint = false} : vector<1000x256xf32>, vector<256x256xf32>, vector<1000x256xf32> -> vector<1000x256xf32>
    %get3A_22 = arith.constant 0 : index
    %get3A_23 = arith.constant 0 : index
    %get3A_24 = vector.load %arg4[%get3A_22, %get3A_23] : memref<1000x1xf32, #tpu.memory_space<vmem>>, vector<1000x1xf32>
    %max3A = arith.constant 1.000000e+00 : f32
    %max3A_25 = vector.broadcast %max3A : f32 to vector<1000x1xf32>
    %max3A_26 = arith.maximumf %get3A_24, %max3A_25 : vector<1000x1xf32>
    %div3A = vector.broadcast %max3A_26 : vector<1000x1xf32> to vector<1000x256xf32>
    %div3A_27 = arith.divf %add3A, %div3A : vector<1000x256xf32>
    %add3A_28 = arith.addf %dot_general3A_21, %div3A_27 : vector<1000x256xf32>
    %get3A_29 = arith.constant 0 : index
    %get3A_30 = arith.constant 0 : index
    %get3A_31 = vector.load %arg8[%get3A_29, %get3A_30] : memref<1x256xf32, #tpu.memory_space<vmem>>, vector<1x256xf32>
    %add3A_32 = vector.broadcast %get3A_31 : vector<1x256xf32> to vector<1000x256xf32>
    %add3A_33 = arith.addf %add3A_28, %add3A_32 : vector<1000x256xf32>
    %max3A_34 = arith.constant 0.000000e+00 : f32
    %max3A_35 = vector.broadcast %max3A_34 : f32 to vector<1000x256xf32>
    %max3A_36 = arith.maximumf %add3A_33, %max3A_35 : vector<1000x256xf32>
    %get3A_37 = arith.constant 0 : index
    %get3A_38 = arith.constant 0 : index
    %get3A_39 = vector.load %arg9[%get3A_37, %get3A_38] : memref<256x256xf32, #tpu.memory_space<vmem>>, vector<256x256xf32>
    %dot_general3A_40 = arith.constant dense<0.000000e+00> : vector<1000x256xf32>
    %dot_general3A_41 = tpu.matmul %max3A_36, %get3A_39, %dot_general3A_40 {dimension_numbers = #tpu.dot_dimension_numbers<[1], [0], [0], [1], [0, 0, 1, 1], [], []>, transpose_lhs_hint = false} : vector<1000x256xf32>, vector<256x256xf32>, vector<1000x256xf32> -> vector<1000x256xf32>
    %swap3A = arith.constant 0 : index
    %swap3A_42 = arith.constant 0 : index
    %swap3A_43 = vector.load %arg10[%swap3A, %swap3A_42] : memref<1000x256xf32, #tpu.memory_space<vmem>>, vector<1000x256xf32>
    tpu.vector_store %arg10[%swap3A, %swap3A_42], %dot_general3A_41 {strides = array<i32>} : memref<1000x256xf32, #tpu.memory_space<vmem>>, vector<1000x256xf32>,
    return
  }
  func.func @transform_0(%arg0: i32) -> (i32, i32) {
    %c0_i32 = arith.constant 0 : i32
    %c0_i32_0 = arith.constant 0 : i32
    return %arg0, %c0_i32 : i32, i32
  }
  func.func @transform_1(%arg0: i32) -> (i32, i32) {
    %c0_i32 = arith.constant 0 : i32
    %c0_i32_0 = arith.constant 0 : i32
    return %arg0, %c0_i32 : i32, i32
  }
  func.func @transform_2(%arg0: i32) -> (i32, i32) {
    %c0_i32 = arith.constant 0 : i32
    %c0_i32_0 = arith.constant 0 : i32
    return %arg0, %c0_i32 : i32, i32
  }
  func.func @transform_3(%arg0: i32) -> (i32, i32) {
    %c0_i32 = arith.constant 0 : i32
    %c0_i32_0 = arith.constant 0 : i32
    return %arg0, %c0_i32 : i32, i32
  }
  func.func @transform_4(%arg0: i32) -> (i32, i32) {
    %c0_i32 = arith.constant 0 : i32
    %c0_i32_0 = arith.constant 0 : i32
    %c0_i32_1 = arith.constant 0 : i32
    return %c0_i32, %c0_i32_0 : i32, i32
  }
  func.func @transform_5(%arg0: i32) -> (i32, i32) {
    %c0_i32 = arith.constant 0 : i32
    %c0_i32_0 = arith.constant 0 : i32
    %c0_i32_1 = arith.constant 0 : i32
    return %c0_i32, %c0_i32_0 : i32, i32
  }
  func.func @transform_6(%arg0: i32) -> (i32, i32) {
    %c0_i32 = arith.constant 0 : i32
    %c0_i32_0 = arith.constant 0 : i32
    %c0_i32_1 = arith.constant 0 : i32
    return %c0_i32, %c0_i32_0 : i32, i32
  }
  func.func @transform_7(%arg0: i32) -> (i32, i32) {
    %c0_i32 = arith.constant 0 : i32
    %c0_i32_0 = arith.constant 0 : i32
    %c0_i32_1 = arith.constant 0 : i32
    return %c0_i32, %c0_i32_0 : i32, i32
  }
  func.func @transform_8(%arg0: i32) -> (i32, i32) {
    %c0_i32 = arith.constant 0 : i32
    %c0_i32_0 = arith.constant 0 : i32
    %c0_i32_1 = arith.constant 0 : i32
    return %c0_i32, %c0_i32_0 : i32, i32
  }
  func.func @transform_9(%arg0: i32) -> (i32, i32) {
    %c0_i32 = arith.constant 0 : i32
    %c0_i32_0 = arith.constant 0 : i32
    return %arg0, %c0_i32 : i32, i32
  }
}

</mosaic_0001>

<sc_bundles>
// kernel: kernel.4.cloned.1.call-start
scs
__scs_entry_jumppad:
0x0: {  	(pc) =	sbr.rel $0x88, $3  }
0x1: {  	(tag) =	ssettag $0x0;
	lr =	simm.s32 $0x1  }
0x2: {  	[smem:$0x3F9B] =	sst lr;
	_ =	strace $0xD0000000  }
0x3: {  	_ = 	snop  }
0x4: {  	_ = 	snop  }
0x5: {  	_ = 	snop  }
0x6: {  	_ = 	snop  }
0x7: {  	_ = 	snop  }
__scs_overlays_trampoline_lowered:
0x8: {  	[smem:$0x3FAA] =	sst s0  }
0x9: {  	[smem:$0x3FAB] =	sst s1  }
0xa: {  	[smem:$0x3FAC] =	sst s2  }
0xb: {  	[smem:$0x3FAD] =	sst s3  }
0xc: {  	[smem:$0x3FAE] =	sst s4  }
0xd: {  	[smem:$0x3FAF] =	sst s5  }
0xe: {  	[smem:$0x3FB0] =	sst s6  }
0xf: {  	[smem:$0x3FB1] =	sst s7  }
0x10: {  	[smem:$0x3FB2] =	sst s8  }
0x11: {  	[smem:$0x3FB3] =	sst s9;
	s0 =	simm.s32 @!p0 $0x0  }
0x12: {  	s1 =	sld [smem:$0x3F99];
	s0 =	simm.s32 @p0 $0x1  }
0x13: {  	[smem:$0x3FB4] =	sst s0;
	s0 =	simm.s32 @!p1 $0x0  }
0x14: {  	s2 =	sld [smem:$0x3F98];
	s0 =	simm.s32 @p1 $0x1  }
0x15: {  	[smem:$0x3FB5] =	sst s0;
	s0 =	simm.s32 @!p2 $0x0  }
0x16: {  	s3 =	sld [smem:$0x3FDB];
	s0 =	simm.s32 @p2 $0x1  }
0x17: {  	s4 =	simm.s32 $0x1BF5;
	[smem:$0x3FB7] =	sst s0  }
0x18: {  	s0 =	sld [smem:$0x3F9A];
	_ =	swait.ge [sflag:s4], $0x0  }
0x19: {  	s7 =	sld [smem:$0x3F9B]  }
0x1a: {  	s8 =	sadd.s32 $0xFFFFE003, lr  }
0x1b: {  	s9 =	sadd.s32 $0xFFFFFEF7, lr;
	s5 =	simm.s32 $0xFFFFFFFF;
	p2 =	slt.u32 s8, $0xFFFFF086  }
0x1c: {  	p1 =	slt.u32 s9, $0xF7A;
	s5 =	simm.s32 @!p2 $0x0  }
0x1d: {  	s5 =	simm.s32 @p1 $0x1;
	p0 =	seq.s32 s7, s2  }
0x1e: {  	s7 =	smul.u32 @!p0 $0xF7A, s2;
	p2 =	seq.s32 @!p0 s5, $0x0  }
0x1f: {  	s9 =	smul.u32 $0xF7A, s1;
	s8 =	simm.s32 @!p0 $0x1BF5;
	p2 =	por !p2, p0  }
0x20: {  	[sflag:s8] =	ssyncset.s32 @!p0 $0xFFFFF086;
	s6 =	sadd.s32 @!p0 s3, s7;
	s7 =	simm.s32 @!p0 $0x108  }
0x21: {  	s3 =	sadd.s32 s3, s9;
	s6 =	sadd.s32 @!p0 $0x88, s6;
	s7 =	simm.s32 @p2 $0x1082  }
0x22: {  	[simem:s7], [sflag:s8] =	dma.local @!p0 [hbm:s6], $0xF7A  }
0x23: {  	s9 =	sor.u32 $0xD0000000, s2;
	s6 =	simm.s32 $0x108;
	_ =	swait.ge @!p0 [sflag:s8], $0x0  }
0x24: {  	s3 =	sadd.s32 $0x88, s3;
	s6 =	simm.s32 @!p1 $0x1082;
	[sflag:s4] =	ssyncset.s32 $0xFFFFF086  }
0x25: {  	[simem:s6], [sflag:s4] =	dma.local [hbm:s3], $0xF7A  }
0x26: {  	[smem:$0x3F9B] =	sst s1;
	(tag) =	ssettag s2;
	_ =	strace s9  }
0x27: {  	s1 =	sld [smem:$0x3FAB]  }
0x28: {  	s2 =	sld [smem:$0x3FAC]  }
0x29: {  	s4 =	sld [smem:$0x3FAE]  }
0x2a: {  	p0 =	seq.s32 s5, $0x0;
	s5 =	sld [smem:$0x3FAF]  }
0x2b: {  	s6 =	sld [smem:$0x3FB0]  }
0x2c: {  	s7 =	sld [smem:$0x3FB1]  }
0x2d: {  	s3 =	simm.s32 $0x108;
	s8 =	sld [smem:$0x3FB2]  }
0x2e: {  	s3 =	simm.s32 @!p0 $0x1082;
	s9 =	sld [smem:$0x3FB3]  }
0x2f: {  	lr =	sadd.s32 s0, s3;
	s0 =	sld [smem:$0x3FAA]  }
0x30: {  	s3 =	sld [smem:$0x3FAD]  }
0x31: {  	[smem:$0x3FB6] =	sst s10  }
0x32: {  	s10 =	sld [smem:$0x3FB4];
	_ =	sdelay $0x3  }
0x33: {  	p0 =	seq.s32 s10, $0x1;
	s10 =	sld [smem:$0x3FB6];
	_ =	sdelay $0x3  }
0x34: {  	[smem:$0x3FB6] =	sst s10  }
0x35: {  	s10 =	sld [smem:$0x3FB5];
	_ =	sdelay $0x3  }
0x36: {  	p1 =	seq.s32 s10, $0x1;
	s10 =	sld [smem:$0x3FB6];
	_ =	sdelay $0x3  }
0x37: {  	[smem:$0x3FB6] =	sst s10  }
0x38: {  	s10 =	sld [smem:$0x3FB7]  }
0x39: {  	_ = 	snop;
	(pc) =	sbr.ind lr, $3  }
0x3a: {  	_ = 	snop  }
0x3b: {  	_ = 	snop  }
0x3c: {  	p2 =	seq.s32 s10, $0x1;
	s10 =	sld [smem:$0x3FB6]  }
0x3d: {  	_ =	shalt  }
0x3e: {  	_ =	shalt  }
0x3f: {  	_ =	shalt  }
0x40: {  	_ =	shalt  }
0x41: {  	_ =	shalt  }
0x42: {  	_ =	shalt  }
0x43: {  	_ =	shalt  }
0x44: {  	_ =	shalt  }
0x45: {  	_ =	shalt  }
0x46: {  	_ =	shalt  }
0x47: {  	_ =	shalt  }
0x48: {  	_ =	shalt  }
0x49: {  	_ =	shalt  }
0x4a: {  	_ =	shalt  }
0x4b: {  	_ =	shalt  }
0x4c: {  	_ =	shalt  }
0x4d: {  	_ =	shalt  }
0x4e: {  	_ =	shalt  }
0x4f: {  	_ =	shalt  }
0x50: {  	_ =	shalt  }
0x51: {  	_ =	shalt  }
0x52: {  	_ =	shalt  }
0x53: {  	_ =	shalt  }
0x54: {  	_ =	shalt  }
0x55: {  	_ =	shalt  }
0x56: {  	_ =	shalt  }
0x57: {  	_ =	shalt  }
0x58: {  	_ =	shalt  }
0x59: {  	_ =	shalt  }
0x5a: {  	_ =	shalt  }
0x5b: {  	_ =	shalt  }
0x5c: {  	_ =	shalt  }
0x5d: {  	_ =	shalt  }
0x5e: {  	_ =	shalt  }
0x5f: {  	_ =	shalt  }
0x60: {  	_ =	shalt  }
0x61: {  	_ =	shalt  }
0x62: {  	_ =	shalt  }
0x63: {  	_ =	shalt  }
0x64: {  	_ =	shalt  }
0x65: {  	_ =	shalt  }
0x66: {  	_ =	shalt  }
0x67: {  	_ =	shalt  }
0x68: {  	_ =	shalt  }
0x69: {  	_ =	shalt  }
0x6a: {  	_ =	shalt  }
0x6b: {  	_ =	shalt  }
0x6c: {  	_ =	shalt  }
0x6d: {  	_ =	shalt  }
0x6e: {  	_ =	shalt  }
0x6f: {  	_ =	shalt  }
0x70: {  	_ =	shalt  }
0x71: {  	_ =	shalt  }
0x72: {  	_ =	shalt  }
0x73: {  	_ =	shalt  }
0x74: {  	_ =	shalt  }
0x75: {  	_ =	shalt  }
0x76: {  	_ =	shalt  }
0x77: {  	_ =	shalt  }
0x78: {  	_ =	shalt  }
0x79: {  	_ =	shalt  }
0x7a: {  	_ =	shalt  }
0x7b: {  	_ =	shalt  }
0x7c: {  	_ =	shalt  }
0x7d: {  	_ =	shalt  }
0x7e: {  	_ =	shalt  }
0x7f: {  	_ =	shalt  }
0x80: {  	_ =	shalt  }
0x81: {  	_ =	shalt  }
0x82: {  	_ =	shalt  }
0x83: {  	_ =	shalt  }
0x84: {  	_ =	shalt  }
0x85: {  	_ =	shalt  }
0x86: {  	_ =	shalt  }
0x87: {  	_ =	shalt  }
.Lfunc_end0:
.L_simem_size_0:
called_computation_lowered:
.L_overlay_start_0:
0x88: {  	s2 =	sld [smem:$0x3FD9]  }
0x89: {  	s3 =	sld [smem:$0x3FFE];
	_ =	sdelay $0x1  }
0x8a: {  	s1 =	srdreg.scid  }
0x8b: {  	s0 =	sand.u32 $0x1, s1  }
0x8c: {  	s17 =	sshll.u32 s0, $0xA;
	s2 =	sadd.s32 s3, s2  }
0x8d: {  	s2 =	sadd.s32 s2, s17  }
0x8e: {  	[smem:$0x3FC2] =	sst s2  }
0x8f: {  	_ = 	snop  }
0x90: {  	s2 =	sld [smem:$0x3FD0];
	(tm) =	ssettm $0x1  }
0x91: {  	s18 =	sld [smem:$0x3FFB];
	_ =	sdelay $0x3  }
0x92: {  	_ =	strace s18  }
0x93: {  	s3 =	sld [smem:$0x3FFC];
	_ =	sdelay $0x3  }
0x94: {  	_ =	strace s3  }
0x95: {  	s3 =	sld [smem:$0x3FFD];
	_ =	sdelay $0x3  }
0x96: {  	_ =	strace s3  }
0x97: {  	_ =	strace $0x8FFFFFFF  }
0x98: {  	s19 =	sld [smem:$0x3FDB];
	_ =	sdelay $0x1  }
0x99: {  	s4 =	simm.s32 $_scs_section_size  }
0x9a: {  	s5 =	simm.s32 $_size__tile_overlayer_lowered;
	s6 =	simm.s32 $_tile_overlayer_lowered  }
0x9b: {  	s22 =	simm.s32 $0x1BFF;
	s21 =	sshll.u32 s6, $0x1;
	s3 =	sadd.s32 s4, s19  }
0x9c: {  	s7 =	simm.s32 $0x0;
	s20 =	sshll.u32 s5, $0x1;
	s5 =	sadd.s32 s21, s3  }
0x9d: {  	[timem:s7], [sflag:s22] =	dma.local [hbm:s5], s20  }
0x9e: {  	_ =	swait.ge [sflag:s22], s20  }
0x9f: {  	s4 =	ssub.s32 $0x0, s20;
	[sflag:s22] =	ssyncset.done $0x0  }
0xa0: {  	[sflag:s22] =	ssyncadd.s32 s4;
	_ =	sdelay $0x1  }
0xa1: {  	s23 =	simm.s32 $0x1B8B  }
0xa2: {  	_ =	swait.ge [sflag:s23], $0x1  }
0xa3: {  	[sflag:s23] =	ssyncset.done $0x0  }
0xa4: {  	s25 =	simm.s32 $0x1B8E;
	s24 =	sld [smem:$0x3FFE];
	[sflag:s23] =	ssyncadd.s32 $0xFFFFFFFF  }
0xa5: {  	s26 =	simm.s32 $execute0_lowered;
	[smem:$0x3FD2] =	sst s25  }
0xa6: {  	s5 =	sshll.u32 s26, $0x1;
	_ =	strace $0x80000046;
	[dreg:$0x1] =	wrdreg $0xFFFFFFFF  }
0xa7: {  	s28 =	simm.s32 $_size_execute0_lowered;
	s3 =	sadd.s32 s3, s5;
	[dreg:$0x0] =	wrdreg $0x0  }
0xa8: {  	s5 =	sshll.u32 s28, $0x1;
	[dreg:$0x2] =	wrdreg s3  }
0xa9: {  	[dreg:$0x3] =	wrdreg s5  }
0xaa: {  	[dreg:$0x4] =	wrdreg $0xC0  }
0xab: {  	_ =	task [dreg:s7], $0x5FFFF  }
0xac: {  	[dreg:$0x1] =	wrdreg $0xFFFFFFFF  }
0xad: {  	[dreg:$0x0] =	wrdreg $0x60  }
0xae: {  	[dreg:$0x2] =	wrdreg s2  }
0xaf: {  	[dreg:$0x3] =	wrdreg s24  }
0xb0: {  	[dreg:$0x4] =	wrdreg $0xB8800  }
0xb1: {  	[dreg:$0x5] =	wrdreg $0x9  }
0xb2: {  	_ =	task.clear_ibuf [dreg:s7], $0x6FFFF;
	_ =	strace $0x90000046  }
0xb3: {  	s29 =	simm.s32 $0x9;
	_ =	strace $0x80000048  }
0xb4: {  	_ =	swait.ge [sflag:s29], $0x1  }
0xb5: {  	[sflag:s29] =	ssyncadd.s32 $0xFFFFFFFF  }
0xb6: {  	_ =	strace $0x90000048  }
0xb7: {  	_ =	sfence  }
0xb8: {  	s30 =	sld [smem:$0x0];
	_ =	sdelay $0x2  }
0xb9: {  	s31 =	sshll.u32 s1, $0xD;
	s1 =	sshrl.u32 s1, $0x2  }
0xba: {  	s3 =	sand.u32 $0x4000, s31;
	s1 =	sadd.s32 s1, s30  }
0xbb: {  	s0 =	sor.u32 s3, s0;
	s1 =	sshll.u32 s1, $0x11  }
0xbc: {  	s0 =	sor.u32 s1, s0  }
0xbd: {  	s0 =	sadd.s32 $0x8F2B, s0  }
0xbe: {  	[sflag:s0] =	ssyncadd.remote.s32 $0x1  }
0xbf: {  	_ =	sfence.sel $0xFFFF  }
0xc0: {  	[dreg:$0x0] =	wrdreg $0xFFFFFFFF;
	(pc) =	sbr.abs _section_cstart, $3  }
0xc1: {  	[dreg:$0x1] =	wrdreg $0xFFFFFFFF  }
0xc2: {  	_ =	task.clear_ibuf [dreg:s7], $0x2FFFF;
	_ =	strace $0x9FFFFFFF  }
0xc3: {  	(tm) =	ssettm $0x7FFFFFFF  }
tec
execute0_lowered:
.L_overlay_start_1:
0x0: {  	(tag) =	ssettag $0x1  }
0x1: {  	s1 =	rddreg [dreg:$0x0]  }
0x2: {  	s7 =	rddreg [dreg:$0x1];
	s2 =	srdreg.scid  }
0x3: {  	s0 =	stileid.u32;
	s3 =	rddreg [dreg:$0x2]  }
0x4: {  	s4 =	simm.s32 $0x0;
	s16 =	simm.s32 $0x9000;
	s17 =	simm.s32 $0x50  }
0x5: {  	s18 =	simm.s32 $0x80;
	s19 =	simm.s32 $0x5000;
	s5 =	smul.u32 $0x2800, s0  }
0x6: {  	s20 =	simm.s32 $0x1;
	s22 =	simm.s32 $0x0;
	s9 =	smul.u32 $0x14000, s0  }
0x7: {  	s15 =	sand.u32 $0x1, s2;
	s2 =	rddreg [dreg:$0x3];
	s12 =	smul.u32 $0x50000, s0  }
0x8: {  	[smem:$0x7FF] =	sst s4;
	s31 =	sshll.u32 s0, $0x6;
	s6 =	smul.u32 $0x28000, s15  }
0x9: {  	_ =	strace $0x80000047;
	s8 =	smul.u32 $0x140000, s15;
	s29 =	ssub.s32 $0x2, s15  }
0xa: {  	p0 =	sne.s32 s15, $0x0;
	s15 =	simm.s32 $0xB800;
	s13 =	sshrl.u32 s29, $0x1  }
0xb: {  	s30 =	sshrl.u32 s12, $0x2;
	s12 =	simm.s32 $0x2;
	s6 =	sadd.s32 s5, s6  }
0xc: {  	s5 =	sshrl.u32 s5, $0x3;
	s8 =	sadd.s32 s9, s8;
	s13 =	ssub.s32 s29, s13  }
0xd: {  	s9 =	sadd.s32 s30, s3;
	s6 =	sshrl.u32 s6, $0x3;
	s11 =	sadd.s32 s5, s7  }
0xe: {  	s5 =	sadd.s32 $0xE00, s7;
	s8 =	sshrl.u32 s8, $0x3;
	s21 =	sshrl.u32 s9, $0x3  }
0xf: {  	s10 =	sadd.s32 s6, s7;
	s6 =	sadd.s32 $0x10000, s7;
	s14 =	sadd.s32 s8, s7  }
0x10: {  	s8 =	sadd.s32 $0x1000, s11;
	s11 =	smax.u32 s13, $0x1;
	s13 =	simm.s32 $0x2800  }
0x11: {  	v0 =	vimm.f32 $0.0e+00;
	v1 =	vimm.f32 $1.000000000e+00;
	s7 =	sadd.s32 $0x6000, s10;
	s10 =	sadd.s32 $0x10200, s14;
	s14 =	sor.u32 $0x1C02, s31  }
.LBB2_1:
0x12: {  	[tilespmem:s4], [sflag:$0x2] =	stream.linear.gather [hbm4b:s7+s4], $0x2780, $0x38;
	[tilespmem:$0x1F880] =	vst v63  }
0x13: {  	_ =	swait.ge [sflag:s12], $0x2780  }
0x14: {  	[sflag:s12] =	ssyncset.done $0x0  }
0x15: {  	[sflag:s12] =	ssyncadd.s32 $0xFFFFD880  }
0x16: {  	[tilespmem:s13], [sflag:$0x2] =	stream.linear.gather [hbm4b:s8+s4], $0x2780, $0x38;
	[tilespmem:$0x1F880] =	vst v63  }
0x17: {  	_ =	swait.ge [sflag:s12], $0x2780  }
0x18: {  	s23 =	sadd.s32 $0x0, s9;
	[sflag:s12] =	ssyncset.done $0x0  }
0x19: {  	s23 =	sshrl.u32 s23, $0x3;
	[sflag:s12] =	ssyncadd.s32 $0xFFFFD880  }
0x1a: {  	[spmem:s23], [sflag:s14] =	dma.local [hbm:s6], $0x80  }
0x1b: {  	s23 =	simm.s32 $0x1000;
	_ =	swait.ge [sflag:s12], $0x80  }
.LBB2_2:
0x1c: {  	s24 =	sshra.s32 s23, $0x2;
	[sflag:s12] =	ssyncset.done $0x0;
	p1 =	sne.s32 s23, $0x4F000  }
.Ltmp0:
0x1d: {  	s24 =	sadd.s32 s24, s9;
	[sflag:s12] =	ssyncadd.s32 $0xFFFFFF80;
	(pc) =	sbr.rel @p1 .LBB2_2-.Ltmp0, $4  }
0x1e: {  	s23 =	sadd.s32 $0x1000, s23;
	s24 =	sshrl.u32 s24, $0x3  }
0x1f: {  	[spmem:s24], [sflag:s14] =	dma.local [hbm:s6], $0x80  }
0x20: {  	_ = 	snop  }
0x21: {  	_ =	swait.ge [sflag:s12], $0x80  }
.Ltmp1:
0x22: {  	(pc) =	sbr.rel @p0 .LBB2_9-.Ltmp1, $3  }
0x23: {  	_ =	sdelay $0x1  }
0x24: {  	[sflag:s12] =	ssyncset.done $0x0  }
0x25: {  	[sflag:s12] =	ssyncadd.s32 $0xFFFFFF80  }
0x26: {  	s23 =	simm.s32 $0x0  }
0x27: {  	[tilespmem:s15], [sflag:$0x2] =	stream.linear.gather [hbm4b:s5+s23], $0x80, $0x38;
	[tilespmem:$0x1F880] =	vst v63  }
0x28: {  	_ =	swait.ge [sflag:s12], $0x80  }
0x29: {  	[sflag:s12] =	ssyncset.done $0x0  }
0x2a: {  	s24 =	simm.s32 $0x10;
	s25 =	sand.u32 $0x3FF0, s23;
	[sflag:s12] =	ssyncadd.s32 $0xFFFFFF80  }
.LBB2_5:
0x2b: {  	p1 =	sne.s32 s24, $0x27F0;
	[tilespmem:s25+$0x9000] =	vst v0;
	s25 =	smov.u32 s24;
	s24 =	sadd.s32 $0x10, s24  }
.Ltmp2:
0x2c: {  	(pc) =	sbr.rel @p1 .LBB2_5-.Ltmp2, $2  }
0x2d: {  	_ =	sdelay $0x2  }
0x2e: {  	s25 =	sand.u32 $0x3FF0, s25  }
0x2f: {  	[tilespmem:s25+$0x9000] =	vst v0;
	s24 =	sand.u32 $0x3FF0, s23;
	s23 =	simm.s32 $0x10  }
.LBB2_7:
0x30: {  	p1 =	sne.s32 s23, $0x2770;
	v2 =	vld [tilespmem:s24+$0x2800];
	_ =	sdelay $0x3  }
.Ltmp3:
0x31: {  	(pc) =	sbr.rel @p1 .LBB2_7-.Ltmp3, $2  }
0x32: {  	_ =	sdelay $0x2  }
0x33: {  	s24 =	sand.u32 $0x3FF0, s23;
	s23 =	sadd.s32 $0x10, s23;
	[tilespmem:v2+s16+$0x0] =	vst.idx.add.f32.msk $0xffff, v1  }
0x34: {  	v2 =	vld [tilespmem:s24+$0x2800];
	_ =	sdelay $0x7  }
0x35: {  	[tilespmem:v2+s16+$0x0] =	vst.idx.add.f32.msk $0xffff, v1  }
.Ltmp4:
0x36: {  	[bflag:$0x0] =	sbarrier.arrive $0xFFFF;
	(pc) =	sbr.rel .LBB2_10-.Ltmp4, $4  }
0x37: {  	[spmem:s3] =	stream.indirect.scatter.add.f32 [tilespmem:s16], [sflag:$0x2], $0x80, s15, s17, $0xb8;
	[tilespmem:$0x1F880] =	vst v63  }
0x38: {  	_ =	swait.ge [sflag:s12], $0x2800  }
0x39: {  	[sflag:s12] =	ssyncset.done $0x0  }
0x3a: {  	[sflag:s12] =	ssyncadd.s32 $0xFFFFD800  }
.LBB2_9:
0x3b: {  	[bflag:$0x0] =	sbarrier.arrive $0xFFFF  }
.LBB2_10:
0x3c: {  	s23 =	simm.s32 $0x0  }
0x3d: {  	[tilespmem:s19], [sflag:$0x1] =	stream.indirect.gather [hbm4b:s1+s18], $0x80, s23, s18, $0xb8;
	[tilespmem:$0x1F880] =	vst v63  }
0x3e: {  	_ =	swait.ge [sflag:s20], $0x4000  }
0x3f: {  	[sflag:s20] =	ssyncset.done $0x0  }
0x40: {  	s31 =	simm.s32 $0x2800;
	[sflag:s20] =	ssyncadd.s32 $0xFFFFC000  }
0x41: {  	[spmem:s3] =	stream.indirect.scatter.add.f32 [tilespmem:s19], [sflag:$0x2], $0x80, s31, s18, $0xb8;
	[tilespmem:$0x1F880] =	vst v63  }
0x42: {  	_ =	swait.ge [sflag:s12], $0x4000  }
0x43: {  	s24 =	simm.s32 $0x400;
	s23 =	simm.s32 $0x200;
	[sflag:s12] =	ssyncset.done $0x0  }
.LBB2_11:
0x44: {  	s25 =	sshra.s32 s23, $0x2  }
0x45: {  	[sflag:s12] =	ssyncadd.s32 $0xFFFFC000;
	s23 =	smov.u32 s24;
	s26 =	sadd.s32 $0x200, s24  }
0x46: {  	[tilespmem:s19], [sflag:$0x1] =	stream.indirect.gather [hbm4b:s1+s18], $0x80, s25, s18, $0xb8;
	[tilespmem:$0x1F880] =	vst v63  }
0x47: {  	p1 =	sne.s32 s24, $0x9C00;
	_ =	swait.ge [sflag:s20], $0x4000  }
.Ltmp5:
0x48: {  	[sflag:s20] =	ssyncset.done $0x0;
	(pc) =	sbr.rel @p1 .LBB2_11-.Ltmp5, $4  }
0x49: {  	s24 =	sadd.s32 $0x2800, s25;
	[sflag:s20] =	ssyncadd.s32 $0xFFFFC000  }
0x4a: {  	[spmem:s3] =	stream.indirect.scatter.add.f32 [tilespmem:s19], [sflag:$0x2], $0x80, s24, s18, $0xb8;
	[tilespmem:$0x1F880] =	vst v63  }
0x4b: {  	_ =	swait.ge [sflag:s12], $0x4000  }
0x4c: {  	s24 =	smov.u32 s26;
	[sflag:s12] =	ssyncset.done $0x0  }
0x4d: {  	s23 =	sshra.s32 s23, $0x2;
	[sflag:s12] =	ssyncadd.s32 $0xFFFFC000  }
0x4e: {  	[tilespmem:s19], [sflag:$0x1] =	stream.indirect.gather [hbm4b:s1+s18], $0x80, s23, s18, $0xb8;
	[tilespmem:$0x1F880] =	vst v63  }
0x4f: {  	_ =	swait.ge [sflag:s20], $0x4000  }
0x50: {  	[sflag:s20] =	ssyncset.done $0x0  }
0x51: {  	s23 =	sadd.s32 $0x2800, s23;
	[sflag:s20] =	ssyncadd.s32 $0xFFFFC000  }
0x52: {  	[spmem:s3] =	stream.indirect.scatter.add.f32 [tilespmem:s19], [sflag:$0x2], $0x80, s23, s18, $0xb8;
	[tilespmem:$0x1F880] =	vst v63  }
0x53: {  	_ =	swait.ge [sflag:s12], $0x4000  }
0x54: {  	s22 =	sadd.s32 $0x1, s22;
	[sflag:s12] =	ssyncset.done $0x0  }
0x55: {  	p1 =	sne.s32 s22, s11;
	[sflag:s12] =	ssyncadd.s32 $0xFFFFC000  }
.Ltmp6:
0x56: {  	[bflag:$0x0] =	sbarrier.arrive $0xFFFF;
	(pc) =	sbr.rel @p1 .LBB2_1-.Ltmp6, $4  }
0x57: {  	[hbm:s10], [sflag:s14] =	dma.local [spmem:s21], $0x2800  }
0x58: {  	_ =	swait.ge [sflag:s12], $0x2800  }
0x59: {  	[sflag:s12] =	ssyncset.done $0x0  }
0x5a: {  	[sflag:s12] =	ssyncadd.s32 $0xFFFFD800  }
0x5b: {  	_ =	sfence.sel $0x180000  }
0x5c: {  	[bflag:$0x0] =	sbarrier.arrive $0xFFFF  }
0x5d: {  	p0 =	sne.s32 s0, $0x0;
	_ =	strace $0x90000047  }
0x5e: {  	s0 =	sadd.s32 @!p0 $0x100000, s2;
	[bflag:$0x2] =	sbarrier.arrive $0xFFFF  }
0x5f: {  	[sflag:s0] =	ssyncadd.tile.s32 @!p0 $0x1;
	_ =	shalt  }
.Lfunc_end2:
_tile_overlayer_lowered:
.L_overlay_start_2:
0x60: {  	(tag) =	ssettag $0x2  }
0x61: {  	s0 =	rddreg [dreg:$0x0];
	s2 =	stileid.u32  }
0x62: {  	s1 =	rddreg [dreg:$0x1];
	p0 =	sne.s32 s2, $0x0  }
0x63: {  	s3 =	rddreg [dreg:$0x2];
	[bflag:$0x3] =	sbarrier.arrive $0xFFFF;
	s2 =	simm.s32 @!p0 $0x1C02  }
0x64: {  	[timem:s3], [sflag:s2] =	dma.local @!p0 [hbm:s0], s1  }
0x65: {  	s0 =	simm.s32 @!p0 $0x2  }
0x66: {  	_ =	swait.ge @!p0 [sflag:s0], s1  }
0x67: {  	s1 =	ssub.s32 @!p0 $0x0, s1;
	[sflag:s0] =	ssyncset.done @!p0 $0x0  }
0x68: {  	[sflag:s0] =	ssyncadd.s32 @!p0 s1  }
0x69: {  	[bflag:$0x3] =	sbarrier.arrive $0xFFFF  }
0x6a: {  	_ =	shalt  }

</sc_bundles>
